<compile_context>
chip_gen: v7x
topology: tpu7x:2x2x1
jax: 0.10.2.dev20260603
libtpu: 0.0.44.dev20260713+nightly
codegen_flags: <defaults>
</compile_context>

<pallas_src>
import functools

import jax
import jax.numpy as jnp
from jax import lax
from jax.experimental import pallas as pl
from jax.experimental.pallas import tpu as pltpu
from jax.experimental.pallas import tpu_sc as plsc

B = 4096
H = 128
BLOCK = 256

_SC = plsc.get_sparse_core_info()
_NW = _SC.num_cores * _SC.num_subcores
_RPW = B // _NW


def _tc_topk_kernel(emb_all_ref, i2_ref, i3_ref, wr_ref, w2_ref, w3_ref,
                    n16_s):
    i = pl.program_id(0)

    @pl.when(i == 0)
    def _prep():
        xa = emb_all_ref[...]
        na = xa / jnp.maximum(jnp.sqrt(jnp.sum(xa * xa, axis=1, keepdims=True)), 1e-12)
        n16_s[...] = na.astype(jnp.bfloat16)

    nb16 = n16_s[pl.ds(i * BLOCK, BLOCK), :]
    na16 = n16_s[...]

    sim = jax.lax.dot_general(
        nb16, na16, (((1,), (1,)), ((), ())),
        preferred_element_type=jnp.float32,
    )

    col = jax.lax.broadcasted_iota(jnp.int32, sim.shape, 1)
    row = jax.lax.broadcasted_iota(jnp.int32, sim.shape, 0) + i * BLOCK

    hot1 = col == row
    nbf = nb16.astype(jnp.float32)
    v1 = jnp.sum(nbf * nbf, axis=1, keepdims=True)
    s2 = jnp.where(hot1, -jnp.inf, sim)

    v2 = jnp.max(s2, axis=1, keepdims=True)
    idx2 = jnp.argmax(s2, axis=1, keepdims=True)
    s3 = jnp.where(col == idx2, -jnp.inf, s2)

    v3 = jnp.max(s3, axis=1, keepdims=True)
    idx3 = jnp.argmax(s3, axis=1, keepdims=True)

    w2 = jnp.exp(v2 - v1)
    w3 = jnp.exp(v3 - v1)
    rden = 1.0 / (1.0 + w2 + w3)

    i2_ref[...] = idx2
    i3_ref[...] = idx3
    wr_ref[...] = rden
    w2_ref[...] = w2 * rden
    w3_ref[...] = w3 * rden


def _tc_topk(sess_emb):
    return pl.pallas_call(
        _tc_topk_kernel,
        grid=(B // BLOCK,),
        in_specs=[pl.BlockSpec((B, H), lambda i: (0, 0))],
        out_specs=[
            pl.BlockSpec((BLOCK, 1), lambda i: (i, 0)),
            pl.BlockSpec((BLOCK, 1), lambda i: (i, 0)),
            pl.BlockSpec((BLOCK, 1), lambda i: (i, 0)),
            pl.BlockSpec((BLOCK, 1), lambda i: (i, 0)),
            pl.BlockSpec((BLOCK, 1), lambda i: (i, 0)),
        ],
        out_shape=[
            jax.ShapeDtypeStruct((B, 1), jnp.int32),
            jax.ShapeDtypeStruct((B, 1), jnp.int32),
            jax.ShapeDtypeStruct((B, 1), jnp.float32),
            jax.ShapeDtypeStruct((B, 1), jnp.float32),
            jax.ShapeDtypeStruct((B, 1), jnp.float32),
        ],
        scratch_shapes=[pltpu.VMEM((B, H), jnp.bfloat16)],
    )(sess_emb)


@functools.partial(
    pl.kernel,
    out_type=jax.ShapeDtypeStruct((B, H), jnp.float32),
    mesh=plsc.VectorSubcoreMesh(core_axis_name="c", subcore_axis_name="s"),
    compiler_params=pltpu.CompilerParams(needs_layout_passes=False),
    scratch_types=[
        pltpu.VMEM((_RPW,), jnp.int32),
        pltpu.VMEM((_RPW,), jnp.int32),
        pltpu.VMEM((_RPW,), jnp.float32),
        pltpu.VMEM((_RPW,), jnp.float32),
        pltpu.VMEM((_RPW,), jnp.float32),
        pltpu.VMEM((_RPW, H), jnp.float32),
        pltpu.VMEM((_RPW, H), jnp.float32),
        pltpu.VMEM((_RPW, H), jnp.float32),
        pltpu.VMEM((_RPW, H), jnp.float32),
        pltpu.SemaphoreType.DMA,
        pltpu.SemaphoreType.DMA,
        pltpu.SemaphoreType.DMA,
    ],
)
def _sc_aggregate(emb_hbm, i2_hbm, i3_hbm, wr_hbm, w2_hbm, w3_hbm, out_hbm,
                  i2_v, i3_v, wr_v, w2_v, w3_v, own_v, r2_v, r3_v, out_v,
                  sem1, sem2, sem3):
    wid = lax.axis_index("s") * _SC.num_cores + lax.axis_index("c")
    base = wid * _RPW

    pltpu.sync_copy(i2_hbm.at[pl.ds(base, _RPW)], i2_v)
    pltpu.sync_copy(i3_hbm.at[pl.ds(base, _RPW)], i3_v)
    pltpu.sync_copy(wr_hbm.at[pl.ds(base, _RPW)], wr_v)
    pltpu.sync_copy(w2_hbm.at[pl.ds(base, _RPW)], w2_v)
    pltpu.sync_copy(w3_hbm.at[pl.ds(base, _RPW)], w3_v)

    cp1 = pltpu.async_copy(emb_hbm.at[pl.ds(base, _RPW)], own_v, sem1)
    cp2 = pltpu.async_copy(emb_hbm.at[i2_v], r2_v, sem2)
    cp3 = pltpu.async_copy(emb_hbm.at[i3_v], r3_v, sem3)
    cp1.wait()
    cp2.wait()
    cp3.wait()

    def body(i, carry):
        bidx = jnp.full((16,), i, jnp.int32)
        wr = plsc.load_gather(wr_v, [bidx])
        w2 = plsc.load_gather(w2_v, [bidx])
        w3 = plsc.load_gather(w3_v, [bidx])
        for c in range(H // 16):
            sl = pl.ds(c * 16, 16)
            out_v[i, sl] = (wr * own_v[i, sl] + w2 * r2_v[i, sl]
                            + w3 * r3_v[i, sl])
        return carry

    lax.fori_loop(0, _RPW, body, 0)
    pltpu.sync_copy(out_v, out_hbm.at[pl.ds(base, _RPW)])


def kernel(sess_emb):
    i2, i3, wr, w2, w3 = _tc_topk(sess_emb)
    return _sc_aggregate(
        sess_emb,
        i2.reshape(B), i3.reshape(B),
        wr.reshape(B), w2.reshape(B), w3.reshape(B),
    )

# --- scband reference (transcript-rebuilt; emitter-appended) ---
"""Pipeline reference for scband-session-similarity-aggregation-24077586661600 (READ-ONLY COPY).

The authoritative reference and input builder live on the scoring server;
editing this copy changes nothing except your own understanding.
"""

import jax, jax.numpy as jnp
import numpy as np

HIDDEN_SIZE = 128
TOPK = 3


def setup_inputs(seed: int = 0) -> dict:
    key = jax.random.key(seed)
    sess_emb = jax.random.normal(key, (4096, HIDDEN_SIZE), dtype=jnp.float32)
    return {"sess_emb": sess_emb}


def reference(sess_emb):
    # F.normalize(p=2, dim=1) with eps=1e-12 clamp on the norm
    norm = jnp.linalg.norm(sess_emb, axis=1, keepdims=True)
    norm_emb = sess_emb / jnp.clip(norm, 1e-12, None)
    # cosine similarity matrix [B, B]
    cos_sim = jnp.matmul(norm_emb, norm_emb.T)
    k = min(TOPK, cos_sim.shape[0])
    cos_topk, topk_indice = jax.lax.top_k(cos_sim, k)
    cos_topk = jax.nn.softmax(cos_topk, axis=1)
    # gather top-k session embeddings: [B, k, H]
    sess_topk = sess_emb[topk_indice]
    w = cos_topk[:, :, None]  # expand to [B, k, H] via broadcast
    sess_sim = jnp.sum(w * sess_topk, axis=1)
    # dropout is identity at inference
    return sess_sim

if __name__ == "__main__":
    import jax
    _d = setup_inputs()
    print(jax.jit(kernel)(*tuple(_d.values())))

</pallas_src>

<mosaic_0001>
#map = affine_map<(d0, d1) -> (0, 0)>
#map1 = affine_map<(d0, d1) -> (0)>
module attributes {stable_mosaic.version = 14 : i64} {
  func.func @_sc_aggregate(%arg0: i32, %arg1: i32, %arg2: memref<4096x128xf32, #tpu.memory_space<hbm>>, %arg3: memref<4096xi32, #tpu.memory_space<hbm>>, %arg4: memref<4096xi32, #tpu.memory_space<hbm>>, %arg5: memref<4096xf32, #tpu.memory_space<hbm>>, %arg6: memref<4096xf32, #tpu.memory_space<hbm>>, %arg7: memref<4096xf32, #tpu.memory_space<hbm>>, %arg8: memref<4096x128xf32, #tpu.memory_space<hbm>>, %arg9: memref<128xi32, #tpu.memory_space<vmem>>, %arg10: memref<128xi32, #tpu.memory_space<vmem>>, %arg11: memref<128xf32, #tpu.memory_space<vmem>>, %arg12: memref<128xf32, #tpu.memory_space<vmem>>, %arg13: memref<128xf32, #tpu.memory_space<vmem>>, %arg14: memref<128x128xf32, #tpu.memory_space<vmem>>, %arg15: memref<128x128xf32, #tpu.memory_space<vmem>>, %arg16: memref<128x128xf32, #tpu.memory_space<vmem>>, %arg17: memref<128x128xf32, #tpu.memory_space<vmem>>, %arg18: memref<!tpu.dma_semaphore, #tpu.memory_space<semaphore_mem>>, %arg19: memref<!tpu.dma_semaphore, #tpu.memory_space<semaphore_mem>>, %arg20: memref<!tpu.dma_semaphore, #tpu.memory_space<semaphore_mem>>) attributes {dimension_semantics = [#tpu.dimension_semantics<core_parallel>, #tpu.dimension_semantics<subcore_parallel>], iteration_bounds = array<i64: 2, 16>, scalar_prefetch = 0 : i64, scratch_operands = 12 : i64, tpu.core_type = #tpu.core_type<sc_vector_subcore>, window_params = [{transform_indices = #map}, {transform_indices = #map1}, {transform_indices = #map1}, {transform_indices = #map1}, {transform_indices = #map1}, {transform_indices = #map1}, {transform_indices = #map}]} {
    %mul3A = arith.constant 2 : i32
    %mul3A_0 = arith.muli %arg1, %mul3A : i32
    %add3A = arith.addi %mul3A_0, %arg0 : i32
    %mul3A_1 = arith.constant 128 : i32
    %mul3A_2 = arith.muli %add3A, %mul3A_1 : i32
    "tpu.region"() ({
      %run_scoped3A = tpu.sem_alloc : memref<!tpu.dma_semaphore, #tpu.memory_space<semaphore_mem>>
      %dma_start3A_26 = tpu.memref_slice %arg3[%mul3A_2] : memref<4096xi32, #tpu.memory_space<hbm>> -> memref<128xi32, #tpu.memory_space<hbm>>
      %dma_start3A_27 = tpu.memref_slice %arg3[%mul3A_2] : memref<4096xi32, #tpu.memory_space<hbm>> -> memref<128xi32, #tpu.memory_space<hbm>>
      tpu.enqueue_dma source(%dma_start3A_27 : memref<128xi32, #tpu.memory_space<hbm>>) target(%arg9 : memref<128xi32, #tpu.memory_space<vmem>>) target_semaphore(%run_scoped3A : memref<!tpu.dma_semaphore, #tpu.memory_space<semaphore_mem>>)
      %dma_wait3A_28 = tpu.memref_slice %arg3[%mul3A_2] : memref<4096xi32, #tpu.memory_space<hbm>> -> memref<128xi32, #tpu.memory_space<hbm>>
      %dma_wait3A_29 = tpu.memref_slice %arg3[%mul3A_2] : memref<4096xi32, #tpu.memory_space<hbm>> -> memref<128xi32, #tpu.memory_space<hbm>>
      tpu.wait_dma2 semaphore(%run_scoped3A : memref<!tpu.dma_semaphore, #tpu.memory_space<semaphore_mem>>) src(%dma_wait3A_29 : memref<128xi32, #tpu.memory_space<hbm>>) dst(%arg9 : memref<128xi32, #tpu.memory_space<vmem>>)
      tpu.yield
    }) : () -> ()
    "tpu.region"() ({
      %run_scoped3A = tpu.sem_alloc : memref<!tpu.dma_semaphore, #tpu.memory_space<semaphore_mem>>
      %dma_start3A_26 = tpu.memref_slice %arg4[%mul3A_2] : memref<4096xi32, #tpu.memory_space<hbm>> -> memref<128xi32, #tpu.memory_space<hbm>>
      %dma_start3A_27 = tpu.memref_slice %arg4[%mul3A_2] : memref<4096xi32, #tpu.memory_space<hbm>> -> memref<128xi32, #tpu.memory_space<hbm>>
      tpu.enqueue_dma source(%dma_start3A_27 : memref<128xi32, #tpu.memory_space<hbm>>) target(%arg10 : memref<128xi32, #tpu.memory_space<vmem>>) target_semaphore(%run_scoped3A : memref<!tpu.dma_semaphore, #tpu.memory_space<semaphore_mem>>)
      %dma_wait3A_28 = tpu.memref_slice %arg4[%mul3A_2] : memref<4096xi32, #tpu.memory_space<hbm>> -> memref<128xi32, #tpu.memory_space<hbm>>
      %dma_wait3A_29 = tpu.memref_slice %arg4[%mul3A_2] : memref<4096xi32, #tpu.memory_space<hbm>> -> memref<128xi32, #tpu.memory_space<hbm>>
      tpu.wait_dma2 semaphore(%run_scoped3A : memref<!tpu.dma_semaphore, #tpu.memory_space<semaphore_mem>>) src(%dma_wait3A_29 : memref<128xi32, #tpu.memory_space<hbm>>) dst(%arg10 : memref<128xi32, #tpu.memory_space<vmem>>)
      tpu.yield
    }) : () -> ()
    "tpu.region"() ({
      %run_scoped3A = tpu.sem_alloc : memref<!tpu.dma_semaphore, #tpu.memory_space<semaphore_mem>>
      %dma_start3A_26 = tpu.memref_slice %arg5[%mul3A_2] : memref<4096xf32, #tpu.memory_space<hbm>> -> memref<128xf32, #tpu.memory_space<hbm>>
      %dma_start3A_27 = tpu.memref_slice %arg5[%mul3A_2] : memref<4096xf32, #tpu.memory_space<hbm>> -> memref<128xf32, #tpu.memory_space<hbm>>
      tpu.enqueue_dma source(%dma_start3A_27 : memref<128xf32, #tpu.memory_space<hbm>>) target(%arg11 : memref<128xf32, #tpu.memory_space<vmem>>) target_semaphore(%run_scoped3A : memref<!tpu.dma_semaphore, #tpu.memory_space<semaphore_mem>>)
      %dma_wait3A_28 = tpu.memref_slice %arg5[%mul3A_2] : memref<4096xf32, #tpu.memory_space<hbm>> -> memref<128xf32, #tpu.memory_space<hbm>>
      %dma_wait3A_29 = tpu.memref_slice %arg5[%mul3A_2] : memref<4096xf32, #tpu.memory_space<hbm>> -> memref<128xf32, #tpu.memory_space<hbm>>
      tpu.wait_dma2 semaphore(%run_scoped3A : memref<!tpu.dma_semaphore, #tpu.memory_space<semaphore_mem>>) src(%dma_wait3A_29 : memref<128xf32, #tpu.memory_space<hbm>>) dst(%arg11 : memref<128xf32, #tpu.memory_space<vmem>>)
      tpu.yield
    }) : () -> ()
    "tpu.region"() ({
      %run_scoped3A = tpu.sem_alloc : memref<!tpu.dma_semaphore, #tpu.memory_space<semaphore_mem>>
      %dma_start3A_26 = tpu.memref_slice %arg6[%mul3A_2] : memref<4096xf32, #tpu.memory_space<hbm>> -> memref<128xf32, #tpu.memory_space<hbm>>
      %dma_start3A_27 = tpu.memref_slice %arg6[%mul3A_2] : memref<4096xf32, #tpu.memory_space<hbm>> -> memref<128xf32, #tpu.memory_space<hbm>>
      tpu.enqueue_dma source(%dma_start3A_27 : memref<128xf32, #tpu.memory_space<hbm>>) target(%arg12 : memref<128xf32, #tpu.memory_space<vmem>>) target_semaphore(%run_scoped3A : memref<!tpu.dma_semaphore, #tpu.memory_space<semaphore_mem>>)
      %dma_wait3A_28 = tpu.memref_slice %arg6[%mul3A_2] : memref<4096xf32, #tpu.memory_space<hbm>> -> memref<128xf32, #tpu.memory_space<hbm>>
      %dma_wait3A_29 = tpu.memref_slice %arg6[%mul3A_2] : memref<4096xf32, #tpu.memory_space<hbm>> -> memref<128xf32, #tpu.memory_space<hbm>>
      tpu.wait_dma2 semaphore(%run_scoped3A : memref<!tpu.dma_semaphore, #tpu.memory_space<semaphore_mem>>) src(%dma_wait3A_29 : memref<128xf32, #tpu.memory_space<hbm>>) dst(%arg12 : memref<128xf32, #tpu.memory_space<vmem>>)
      tpu.yield
    }) : () -> ()
    "tpu.region"() ({
      %run_scoped3A = tpu.sem_alloc : memref<!tpu.dma_semaphore, #tpu.memory_space<semaphore_mem>>
      %dma_start3A_26 = tpu.memref_slice %arg7[%mul3A_2] : memref<4096xf32, #tpu.memory_space<hbm>> -> memref<128xf32, #tpu.memory_space<hbm>>
      %dma_start3A_27 = tpu.memref_slice %arg7[%mul3A_2] : memref<4096xf32, #tpu.memory_space<hbm>> -> memref<128xf32, #tpu.memory_space<hbm>>
      tpu.enqueue_dma source(%dma_start3A_27 : memref<128xf32, #tpu.memory_space<hbm>>) target(%arg13 : memref<128xf32, #tpu.memory_space<vmem>>) target_semaphore(%run_scoped3A : memref<!tpu.dma_semaphore, #tpu.memory_space<semaphore_mem>>)
      %dma_wait3A_28 = tpu.memref_slice %arg7[%mul3A_2] : memref<4096xf32, #tpu.memory_space<hbm>> -> memref<128xf32, #tpu.memory_space<hbm>>
      %dma_wait3A_29 = tpu.memref_slice %arg7[%mul3A_2] : memref<4096xf32, #tpu.memory_space<hbm>> -> memref<128xf32, #tpu.memory_space<hbm>>
      tpu.wait_dma2 semaphore(%run_scoped3A : memref<!tpu.dma_semaphore, #tpu.memory_space<semaphore_mem>>) src(%dma_wait3A_29 : memref<128xf32, #tpu.memory_space<hbm>>) dst(%arg13 : memref<128xf32, #tpu.memory_space<vmem>>)
      tpu.yield
    }) : () -> ()
    %dma_start3A = arith.constant 0 : i32
    %dma_start3A_3 = tpu.memref_slice %arg2[%mul3A_2, %dma_start3A] : memref<4096x128xf32, #tpu.memory_space<hbm>> -> memref<128x128xf32, #tpu.memory_space<hbm>>
    %dma_start3A_4 = arith.constant 0 : i32
    %dma_start3A_5 = tpu.memref_slice %arg2[%mul3A_2, %dma_start3A_4] : memref<4096x128xf32, #tpu.memory_space<hbm>> -> memref<128x128xf32, #tpu.memory_space<hbm>>
    tpu.enqueue_dma source(%dma_start3A_5 : memref<128x128xf32, #tpu.memory_space<hbm>>) target(%arg14 : memref<128x128xf32, #tpu.memory_space<vmem>>) target_semaphore(%arg18 : memref<!tpu.dma_semaphore, #tpu.memory_space<semaphore_mem>>)
    %dma_start3A_6 = arith.constant 0 : i32
    %dma_start3A_7 = arith.constant 0 : i32
    %dma_start3A_8 = tpu.memref_slice %arg2[%dma_start3A_6, %dma_start3A_7] : memref<4096x128xf32, #tpu.memory_space<hbm>> -> memref<4096x128xf32, #tpu.memory_space<hbm>>
    tpu.enqueue_indirect_dma source(%dma_start3A_8 : memref<4096x128xf32, #tpu.memory_space<hbm>>) target(%arg15 : memref<128x128xf32, #tpu.memory_space<vmem>>) offsets(%arg9 : memref<128xi32, #tpu.memory_space<vmem>>) semaphore(%arg19 : memref<!tpu.dma_semaphore, #tpu.memory_space<semaphore_mem>>)
    %dma_start3A_9 = arith.constant 0 : i32
    %dma_start3A_10 = arith.constant 0 : i32
    %dma_start3A_11 = tpu.memref_slice %arg2[%dma_start3A_9, %dma_start3A_10] : memref<4096x128xf32, #tpu.memory_space<hbm>> -> memref<4096x128xf32, #tpu.memory_space<hbm>>
    tpu.enqueue_indirect_dma source(%dma_start3A_11 : memref<4096x128xf32, #tpu.memory_space<hbm>>) target(%arg16 : memref<128x128xf32, #tpu.memory_space<vmem>>) offsets(%arg10 : memref<128xi32, #tpu.memory_space<vmem>>) semaphore(%arg20 : memref<!tpu.dma_semaphore, #tpu.memory_space<semaphore_mem>>)
    %dma_wait3A = arith.constant 0 : i32
    %dma_wait3A_12 = tpu.memref_slice %arg2[%mul3A_2, %dma_wait3A] : memref<4096x128xf32, #tpu.memory_space<hbm>> -> memref<128x128xf32, #tpu.memory_space<hbm>>
    %dma_wait3A_13 = arith.constant 0 : i32
    %dma_wait3A_14 = tpu.memref_slice %arg2[%mul3A_2, %dma_wait3A_13] : memref<4096x128xf32, #tpu.memory_space<hbm>> -> memref<128x128xf32, #tpu.memory_space<hbm>>
    tpu.wait_dma2 semaphore(%arg18 : memref<!tpu.dma_semaphore, #tpu.memory_space<semaphore_mem>>) src(%dma_wait3A_14 : memref<128x128xf32, #tpu.memory_space<hbm>>) dst(%arg14 : memref<128x128xf32, #tpu.memory_space<vmem>>)
    %dma_wait3A_15 = arith.constant 0 : i32
    %dma_wait3A_16 = arith.constant 0 : i32
    %dma_wait3A_17 = tpu.memref_slice %arg2[%dma_wait3A_15, %dma_wait3A_16] : memref<4096x128xf32, #tpu.memory_space<hbm>> -> memref<4096x128xf32, #tpu.memory_space<hbm>>
    tpu.wait_indirect_dma semaphore(%arg19 : memref<!tpu.dma_semaphore, #tpu.memory_space<semaphore_mem>>) src(%dma_wait3A_17 : memref<4096x128xf32, #tpu.memory_space<hbm>>) dst(%arg15 : memref<128x128xf32, #tpu.memory_space<vmem>>)
    %dma_wait3A_18 = arith.constant 0 : i32
    %dma_wait3A_19 = arith.constant 0 : i32
    %dma_wait3A_20 = tpu.memref_slice %arg2[%dma_wait3A_18, %dma_wait3A_19] : memref<4096x128xf32, #tpu.memory_space<hbm>> -> memref<4096x128xf32, #tpu.memory_space<hbm>>
    tpu.wait_indirect_dma semaphore(%arg20 : memref<!tpu.dma_semaphore, #tpu.memory_space<semaphore_mem>>) src(%dma_wait3A_20 : memref<4096x128xf32, #tpu.memory_space<hbm>>) dst(%arg16 : memref<128x128xf32, #tpu.memory_space<vmem>>)
    %scan3A = arith.constant 0 : i32
    %scan3A_21 = arith.constant 0 : i32
    %scan3A_22 = arith.constant 128 : i32
    %scan3A_23 = arith.addi %scan3A_21, %scan3A_22 : i32
    %scan3A_24 = arith.constant 1 : i32
    scf.for %scan3A_26 = %scan3A_21 to %scan3A_23 step %scan3A_24  : i32 {
      %broadcast_in_dim3A = vector.broadcast %scan3A_26 : i32 to vector<16xi32>
      %gather3A = tpu.vector_load_idx %arg11[%broadcast_in_dim3A] : memref<128xf32, #tpu.memory_space<vmem>>[vector<16xi32>], vector<16xf32>,
      %gather3A_27 = tpu.vector_load_idx %arg12[%broadcast_in_dim3A] : memref<128xf32, #tpu.memory_space<vmem>>[vector<16xi32>], vector<16xf32>,
      %gather3A_28 = tpu.vector_load_idx %arg13[%broadcast_in_dim3A] : memref<128xf32, #tpu.memory_space<vmem>>[vector<16xi32>], vector<16xf32>,
      %get3A = arith.index_cast %scan3A_26 : i32 to index
      %get3A_29 = arith.constant 0 : index
      %get3A_30 = tpu.vector_load %arg14[%get3A, %get3A_29] {strides = array<i32>} : memref<128x128xf32, #tpu.memory_space<vmem>>, vector<16xf32>,
      %mul3A_31 = arith.mulf %gather3A, %get3A_30 : vector<16xf32>
      %get3A_32 = arith.index_cast %scan3A_26 : i32 to index
      %get3A_33 = arith.constant 0 : index
      %get3A_34 = tpu.vector_load %arg15[%get3A_32, %get3A_33] {strides = array<i32>} : memref<128x128xf32, #tpu.memory_space<vmem>>, vector<16xf32>,
      %mul3A_35 = arith.mulf %gather3A_27, %get3A_34 : vector<16xf32>
      %add3A_36 = arith.addf %mul3A_31, %mul3A_35 : vector<16xf32>
      %get3A_37 = arith.index_cast %scan3A_26 : i32 to index
      %get3A_38 = arith.constant 0 : index
      %get3A_39 = tpu.vector_load %arg16[%get3A_37, %get3A_38] {strides = array<i32>} : memref<128x128xf32, #tpu.memory_space<vmem>>, vector<16xf32>,
      %mul3A_40 = arith.mulf %gather3A_28, %get3A_39 : vector<16xf32>
      %add3A_41 = arith.addf %add3A_36, %mul3A_40 : vector<16xf32>
      %swap3A = arith.index_cast %scan3A_26 : i32 to index
      %swap3A_42 = arith.constant 0 : index
      %swap3A_43 = tpu.vector_load %arg17[%swap3A, %swap3A_42] {strides = array<i32>} : memref<128x128xf32, #tpu.memory_space<vmem>>, vector<16xf32>,
      tpu.vector_store %arg17[%swap3A, %swap3A_42], %add3A_41 {strides = array<i32>} : memref<128x128xf32, #tpu.memory_space<vmem>>, vector<16xf32>,
      %get3A_44 = arith.index_cast %scan3A_26 : i32 to index
      %get3A_45 = arith.constant 16 : index
      %get3A_46 = tpu.vector_load %arg14[%get3A_44, %get3A_45] {strides = array<i32>} : memref<128x128xf32, #tpu.memory_space<vmem>>, vector<16xf32>,
      %mul3A_47 = arith.mulf %gather3A, %get3A_46 : vector<16xf32>
      %get3A_48 = arith.index_cast %scan3A_26 : i32 to index
      %get3A_49 = arith.constant 16 : index
      %get3A_50 = tpu.vector_load %arg15[%get3A_48, %get3A_49] {strides = array<i32>} : memref<128x128xf32, #tpu.memory_space<vmem>>, vector<16xf32>,
      %mul3A_51 = arith.mulf %gather3A_27, %get3A_50 : vector<16xf32>
      %add3A_52 = arith.addf %mul3A_47, %mul3A_51 : vector<16xf32>
      %get3A_53 = arith.index_cast %scan3A_26 : i32 to index
      %get3A_54 = arith.constant 16 : index
      %get3A_55 = tpu.vector_load %arg16[%get3A_53, %get3A_54] {strides = array<i32>} : memref<128x128xf32, #tpu.memory_space<vmem>>, vector<16xf32>,
      %mul3A_56 = arith.mulf %gather3A_28, %get3A_55 : vector<16xf32>
      %add3A_57 = arith.addf %add3A_52, %mul3A_56 : vector<16xf32>
      %swap3A_58 = arith.index_cast %scan3A_26 : i32 to index
      %swap3A_59 = arith.constant 16 : index
      %swap3A_60 = tpu.vector_load %arg17[%swap3A_58, %swap3A_59] {strides = array<i32>} : memref<128x128xf32, #tpu.memory_space<vmem>>, vector<16xf32>,
      tpu.vector_store %arg17[%swap3A_58, %swap3A_59], %add3A_57 {strides = array<i32>} : memref<128x128xf32, #tpu.memory_space<vmem>>, vector<16xf32>,
      %get3A_61 = arith.index_cast %scan3A_26 : i32 to index
      %get3A_62 = arith.constant 32 : index
      %get3A_63 = tpu.vector_load %arg14[%get3A_61, %get3A_62] {strides = array<i32>} : memref<128x128xf32, #tpu.memory_space<vmem>>, vector<16xf32>,
      %mul3A_64 = arith.mulf %gather3A, %get3A_63 : vector<16xf32>
      %get3A_65 = arith.index_cast %scan3A_26 : i32 to index
      %get3A_66 = arith.constant 32 : index
      %get3A_67 = tpu.vector_load %arg15[%get3A_65, %get3A_66] {strides = array<i32>} : memref<128x128xf32, #tpu.memory_space<vmem>>, vector<16xf32>,
      %mul3A_68 = arith.mulf %gather3A_27, %get3A_67 : vector<16xf32>
      %add3A_69 = arith.addf %mul3A_64, %mul3A_68 : vector<16xf32>
      %get3A_70 = arith.index_cast %scan3A_26 : i32 to index
      %get3A_71 = arith.constant 32 : index
      %get3A_72 = tpu.vector_load %arg16[%get3A_70, %get3A_71] {strides = array<i32>} : memref<128x128xf32, #tpu.memory_space<vmem>>, vector<16xf32>,
      %mul3A_73 = arith.mulf %gather3A_28, %get3A_72 : vector<16xf32>
      %add3A_74 = arith.addf %add3A_69, %mul3A_73 : vector<16xf32>
      %swap3A_75 = arith.index_cast %scan3A_26 : i32 to index
      %swap3A_76 = arith.constant 32 : index
      %swap3A_77 = tpu.vector_load %arg17[%swap3A_75, %swap3A_76] {strides = array<i32>} : memref<128x128xf32, #tpu.memory_space<vmem>>, vector<16xf32>,
      tpu.vector_store %arg17[%swap3A_75, %swap3A_76], %add3A_74 {strides = array<i32>} : memref<128x128xf32, #tpu.memory_space<vmem>>, vector<16xf32>,
      %get3A_78 = arith.index_cast %scan3A_26 : i32 to index
      %get3A_79 = arith.constant 48 : index
      %get3A_80 = tpu.vector_load %arg14[%get3A_78, %get3A_79] {strides = array<i32>} : memref<128x128xf32, #tpu.memory_space<vmem>>, vector<16xf32>,
      %mul3A_81 = arith.mulf %gather3A, %get3A_80 : vector<16xf32>
      %get3A_82 = arith.index_cast %scan3A_26 : i32 to index
      %get3A_83 = arith.constant 48 : index
      %get3A_84 = tpu.vector_load %arg15[%get3A_82, %get3A_83] {strides = array<i32>} : memref<128x128xf32, #tpu.memory_space<vmem>>, vector<16xf32>,
      %mul3A_85 = arith.mulf %gather3A_27, %get3A_84 : vector<16xf32>
      %add3A_86 = arith.addf %mul3A_81, %mul3A_85 : vector<16xf32>
      %get3A_87 = arith.index_cast %scan3A_26 : i32 to index
      %get3A_88 = arith.constant 48 : index
      %get3A_89 = tpu.vector_load %arg16[%get3A_87, %get3A_88] {strides = array<i32>} : memref<128x128xf32, #tpu.memory_space<vmem>>, vector<16xf32>,
      %mul3A_90 = arith.mulf %gather3A_28, %get3A_89 : vector<16xf32>
      %add3A_91 = arith.addf %add3A_86, %mul3A_90 : vector<16xf32>
      %swap3A_92 = arith.index_cast %scan3A_26 : i32 to index
      %swap3A_93 = arith.constant 48 : index
      %swap3A_94 = tpu.vector_load %arg17[%swap3A_92, %swap3A_93] {strides = array<i32>} : memref<128x128xf32, #tpu.memory_space<vmem>>, vector<16xf32>,
      tpu.vector_store %arg17[%swap3A_92, %swap3A_93], %add3A_91 {strides = array<i32>} : memref<128x128xf32, #tpu.memory_space<vmem>>, vector<16xf32>,
      %get3A_95 = arith.index_cast %scan3A_26 : i32 to index
      %get3A_96 = arith.constant 64 : index
      %get3A_97 = tpu.vector_load %arg14[%get3A_95, %get3A_96] {strides = array<i32>} : memref<128x128xf32, #tpu.memory_space<vmem>>, vector<16xf32>,
      %mul3A_98 = arith.mulf %gather3A, %get3A_97 : vector<16xf32>
      %get3A_99 = arith.index_cast %scan3A_26 : i32 to index
      %get3A_100 = arith.constant 64 : index
      %get3A_101 = tpu.vector_load %arg15[%get3A_99, %get3A_100] {strides = array<i32>} : memref<128x128xf32, #tpu.memory_space<vmem>>, vector<16xf32>,
      %mul3A_102 = arith.mulf %gather3A_27, %get3A_101 : vector<16xf32>
      %add3A_103 = arith.addf %mul3A_98, %mul3A_102 : vector<16xf32>
      %get3A_104 = arith.index_cast %scan3A_26 : i32 to index
      %get3A_105 = arith.constant 64 : index
      %get3A_106 = tpu.vector_load %arg16[%get3A_104, %get3A_105] {strides = array<i32>} : memref<128x128xf32, #tpu.memory_space<vmem>>, vector<16xf32>,
      %mul3A_107 = arith.mulf %gather3A_28, %get3A_106 : vector<16xf32>
      %add3A_108 = arith.addf %add3A_103, %mul3A_107 : vector<16xf32>
      %swap3A_109 = arith.index_cast %scan3A_26 : i32 to index
      %swap3A_110 = arith.constant 64 : index
      %swap3A_111 = tpu.vector_load %arg17[%swap3A_109, %swap3A_110] {strides = array<i32>} : memref<128x128xf32, #tpu.memory_space<vmem>>, vector<16xf32>,
      tpu.vector_store %arg17[%swap3A_109, %swap3A_110], %add3A_108 {strides = array<i32>} : memref<128x128xf32, #tpu.memory_space<vmem>>, vector<16xf32>,
      %get3A_112 = arith.index_cast %scan3A_26 : i32 to index
      %get3A_113 = arith.constant 80 : index
      %get3A_114 = tpu.vector_load %arg14[%get3A_112, %get3A_113] {strides = array<i32>} : memref<128x128xf32, #tpu.memory_space<vmem>>, vector<16xf32>,
      %mul3A_115 = arith.mulf %gather3A, %get3A_114 : vector<16xf32>
      %get3A_116 = arith.index_cast %scan3A_26 : i32 to index
      %get3A_117 = arith.constant 80 : index
      %get3A_118 = tpu.vector_load %arg15[%get3A_116, %get3A_117] {strides = array<i32>} : memref<128x128xf32, #tpu.memory_space<vmem>>, vector<16xf32>,
      %mul3A_119 = arith.mulf %gather3A_27, %get3A_118 : vector<16xf32>
      %add3A_120 = arith.addf %mul3A_115, %mul3A_119 : vector<16xf32>
      %get3A_121 = arith.index_cast %scan3A_26 : i32 to index
      %get3A_122 = arith.constant 80 : index
      %get3A_123 = tpu.vector_load %arg16[%get3A_121, %get3A_122] {strides = array<i32>} : memref<128x128xf32, #tpu.memory_space<vmem>>, vector<16xf32>,
      %mul3A_124 = arith.mulf %gather3A_28, %get3A_123 : vector<16xf32>
      %add3A_125 = arith.addf %add3A_120, %mul3A_124 : vector<16xf32>
      %swap3A_126 = arith.index_cast %scan3A_26 : i32 to index
      %swap3A_127 = arith.constant 80 : index
      %swap3A_128 = tpu.vector_load %arg17[%swap3A_126, %swap3A_127] {strides = array<i32>} : memref<128x128xf32, #tpu.memory_space<vmem>>, vector<16xf32>,
      tpu.vector_store %arg17[%swap3A_126, %swap3A_127], %add3A_125 {strides = array<i32>} : memref<128x128xf32, #tpu.memory_space<vmem>>, vector<16xf32>,
      %get3A_129 = arith.index_cast %scan3A_26 : i32 to index
      %get3A_130 = arith.constant 96 : index
      %get3A_131 = tpu.vector_load %arg14[%get3A_129, %get3A_130] {strides = array<i32>} : memref<128x128xf32, #tpu.memory_space<vmem>>, vector<16xf32>,
      %mul3A_132 = arith.mulf %gather3A, %get3A_131 : vector<16xf32>
      %get3A_133 = arith.index_cast %scan3A_26 : i32 to index
      %get3A_134 = arith.constant 96 : index
      %get3A_135 = tpu.vector_load %arg15[%get3A_133, %get3A_134] {strides = array<i32>} : memref<128x128xf32, #tpu.memory_space<vmem>>, vector<16xf32>,
      %mul3A_136 = arith.mulf %gather3A_27, %get3A_135 : vector<16xf32>
      %add3A_137 = arith.addf %mul3A_132, %mul3A_136 : vector<16xf32>
      %get3A_138 = arith.index_cast %scan3A_26 : i32 to index
      %get3A_139 = arith.constant 96 : index
      %get3A_140 = tpu.vector_load %arg16[%get3A_138, %get3A_139] {strides = array<i32>} : memref<128x128xf32, #tpu.memory_space<vmem>>, vector<16xf32>,
      %mul3A_141 = arith.mulf %gather3A_28, %get3A_140 : vector<16xf32>
      %add3A_142 = arith.addf %add3A_137, %mul3A_141 : vector<16xf32>
      %swap3A_143 = arith.index_cast %scan3A_26 : i32 to index
      %swap3A_144 = arith.constant 96 : index
      %swap3A_145 = tpu.vector_load %arg17[%swap3A_143, %swap3A_144] {strides = array<i32>} : memref<128x128xf32, #tpu.memory_space<vmem>>, vector<16xf32>,
      tpu.vector_store %arg17[%swap3A_143, %swap3A_144], %add3A_142 {strides = array<i32>} : memref<128x128xf32, #tpu.memory_space<vmem>>, vector<16xf32>,
      %get3A_146 = arith.index_cast %scan3A_26 : i32 to index
      %get3A_147 = arith.constant 112 : index
      %get3A_148 = tpu.vector_load %arg14[%get3A_146, %get3A_147] {strides = array<i32>} : memref<128x128xf32, #tpu.memory_space<vmem>>, vector<16xf32>,
      %mul3A_149 = arith.mulf %gather3A, %get3A_148 : vector<16xf32>
      %get3A_150 = arith.index_cast %scan3A_26 : i32 to index
      %get3A_151 = arith.constant 112 : index
      %get3A_152 = tpu.vector_load %arg15[%get3A_150, %get3A_151] {strides = array<i32>} : memref<128x128xf32, #tpu.memory_space<vmem>>, vector<16xf32>,
      %mul3A_153 = arith.mulf %gather3A_27, %get3A_152 : vector<16xf32>
      %add3A_154 = arith.addf %mul3A_149, %mul3A_153 : vector<16xf32>
      %get3A_155 = arith.index_cast %scan3A_26 : i32 to index
      %get3A_156 = arith.constant 112 : index
      %get3A_157 = tpu.vector_load %arg16[%get3A_155, %get3A_156] {strides = array<i32>} : memref<128x128xf32, #tpu.memory_space<vmem>>, vector<16xf32>,
      %mul3A_158 = arith.mulf %gather3A_28, %get3A_157 : vector<16xf32>
      %add3A_159 = arith.addf %add3A_154, %mul3A_158 : vector<16xf32>
      %swap3A_160 = arith.index_cast %scan3A_26 : i32 to index
      %swap3A_161 = arith.constant 112 : index
      %swap3A_162 = tpu.vector_load %arg17[%swap3A_160, %swap3A_161] {strides = array<i32>} : memref<128x128xf32, #tpu.memory_space<vmem>>, vector<16xf32>,
      tpu.vector_store %arg17[%swap3A_160, %swap3A_161], %add3A_159 {strides = array<i32>} : memref<128x128xf32, #tpu.memory_space<vmem>>, vector<16xf32>,
    }
    %scan3A_25 = arith.constant 128 : i32
    "tpu.region"() ({
      %run_scoped3A = tpu.sem_alloc : memref<!tpu.dma_semaphore, #tpu.memory_space<semaphore_mem>>
      %dma_start3A_26 = arith.constant 0 : i32
      %dma_start3A_27 = tpu.memref_slice %arg8[%mul3A_2, %dma_start3A_26] : memref<4096x128xf32, #tpu.memory_space<hbm>> -> memref<128x128xf32, #tpu.memory_space<hbm>>
      %dma_start3A_28 = arith.constant 0 : i32
      %dma_start3A_29 = tpu.memref_slice %arg8[%mul3A_2, %dma_start3A_28] : memref<4096x128xf32, #tpu.memory_space<hbm>> -> memref<128x128xf32, #tpu.memory_space<hbm>>
      tpu.enqueue_dma source(%arg17 : memref<128x128xf32, #tpu.memory_space<vmem>>) target(%dma_start3A_29 : memref<128x128xf32, #tpu.memory_space<hbm>>) target_semaphore(%run_scoped3A : memref<!tpu.dma_semaphore, #tpu.memory_space<semaphore_mem>>)
      %dma_wait3A_30 = arith.constant 0 : i32
      %dma_wait3A_31 = tpu.memref_slice %arg8[%mul3A_2, %dma_wait3A_30] : memref<4096x128xf32, #tpu.memory_space<hbm>> -> memref<128x128xf32, #tpu.memory_space<hbm>>
      %dma_wait3A_32 = arith.constant 0 : i32
      %dma_wait3A_33 = tpu.memref_slice %arg8[%mul3A_2, %dma_wait3A_32] : memref<4096x128xf32, #tpu.memory_space<hbm>> -> memref<128x128xf32, #tpu.memory_space<hbm>>
      tpu.wait_dma2 semaphore(%run_scoped3A : memref<!tpu.dma_semaphore, #tpu.memory_space<semaphore_mem>>) src(%arg17 : memref<128x128xf32, #tpu.memory_space<vmem>>) dst(%dma_wait3A_33 : memref<128x128xf32, #tpu.memory_space<hbm>>)
      tpu.yield
    }) : () -> ()
    return
  }
}

module attributes {stable_mosaic.version = 14 : i64} {
  func.func @_tc_topk_kernel(%arg0: i32, %arg1: memref<4096x128xf32, #tpu.memory_space<vmem>>, %arg2: memref<256x1xi32, #tpu.memory_space<vmem>>, %arg3: memref<256x1xi32, #tpu.memory_space<vmem>>, %arg4: memref<256x1xf32, #tpu.memory_space<vmem>>, %arg5: memref<256x1xf32, #tpu.memory_space<vmem>>, %arg6: memref<256x1xf32, #tpu.memory_space<vmem>>, %arg7: memref<4096x128xbf16, #tpu.memory_space<vmem>>) attributes {dimension_semantics = [#tpu.dimension_semantics<arbitrary>], iteration_bounds = array<i64: 16>, scalar_prefetch = 0 : i64, scratch_operands = 1 : i64, tpu.core_type = #tpu.core_type<tc>, window_params = [{pipeline_mode = #tpu.pipeline_mode<synchronous>, transform_indices = @transform_0, window_bounds = array<i64: 4096, 128>}, {transform_indices = @transform_1, window_bounds = array<i64: 256, 1>}, {transform_indices = @transform_2, window_bounds = array<i64: 256, 1>}, {transform_indices = @transform_3, window_bounds = array<i64: 256, 1>}, {transform_indices = @transform_4, window_bounds = array<i64: 256, 1>}, {transform_indices = @transform_5, window_bounds = array<i64: 256, 1>}]} {
    %eq3A = arith.constant 0 : i32
    %eq3A_0 = arith.cmpi eq, %arg0, %eq3A : i32
    %convert_element_type3A = arith.extui %eq3A_0 : i1 to i32
    %cond3A = arith.constant 0 : i32
    %cond3A_1 = arith.cmpi ne, %convert_element_type3A, %cond3A : i32
    scf.if %cond3A_1 {
      %get3A_55 = arith.constant 0 : index
      %get3A_56 = arith.constant 0 : index
      %get3A_57 = vector.load %arg1[%get3A_55, %get3A_56] : memref<4096x128xf32, #tpu.memory_space<vmem>>, vector<4096x128xf32>
      %mul3A_58 = arith.mulf %get3A_57, %get3A_57 : vector<4096x128xf32>
      %reduce_sum3A_59 = arith.constant dense<0.000000e+00> : vector<4096xf32>
      %reduce_sum3A_60 = vector.multi_reduction <add>, %mul3A_58, %reduce_sum3A_59 [1] : vector<4096x128xf32> to vector<4096xf32>
      %broadcast_in_dim3A_61 = vector.shape_cast %reduce_sum3A_60 : vector<4096xf32> to vector<4096x1xf32>
      %sqrt3A = math.sqrt %broadcast_in_dim3A_61 : vector<4096x1xf32>
      %max3A = arith.constant 9.99999996E-13 : f32
      %max3A_62 = vector.broadcast %max3A : f32 to vector<4096x1xf32>
      %max3A_63 = arith.maximumf %sqrt3A, %max3A_62 : vector<4096x1xf32>
      %div3A_64 = vector.broadcast %max3A_63 : vector<4096x1xf32> to vector<4096x128xf32>
      %div3A_65 = arith.divf %get3A_57, %div3A_64 : vector<4096x128xf32>
      %convert_element_type3A_66 = arith.truncf %div3A_65 : vector<4096x128xf32> to vector<4096x128xbf16>
      %swap3A_67 = arith.constant 0 : index
      %swap3A_68 = arith.constant 0 : index
      %swap3A_69 = vector.load %arg7[%swap3A_67, %swap3A_68] : memref<4096x128xbf16, #tpu.memory_space<vmem>>, vector<4096x128xbf16>
      tpu.vector_store %arg7[%swap3A_67, %swap3A_68], %convert_element_type3A_66 {strides = array<i32>} : memref<4096x128xbf16, #tpu.memory_space<vmem>>, vector<4096x128xbf16>,
    } else {
    }
    %mul3A = arith.constant 256 : i32
    %mul3A_2 = arith.muli %arg0, %mul3A : i32
    %get3A = arith.index_cast %mul3A_2 : i32 to index
    %get3A_3 = arith.constant 0 : index
    %get3A_4 = vector.load %arg7[%get3A, %get3A_3] : memref<4096x128xbf16, #tpu.memory_space<vmem>>, vector<256x128xbf16>
    %get3A_5 = arith.constant 0 : index
    %get3A_6 = arith.constant 0 : index
    %get3A_7 = vector.load %arg7[%get3A_5, %get3A_6] : memref<4096x128xbf16, #tpu.memory_space<vmem>>, vector<4096x128xbf16>
    %dot_general3A = arith.constant dense<0.000000e+00> : vector<256x4096xf32>
    %dot_general3A_8 = tpu.matmul %get3A_4, %get3A_7, %dot_general3A {dimension_numbers = #tpu.dot_dimension_numbers<[1], [1], [0], [0], [0, 0, 1, 0], [], []>, transpose_lhs_hint = false} : vector<256x128xbf16>, vector<4096x128xbf16>, vector<256x4096xf32> -> vector<256x4096xf32>
    %iota3A = tpu.iota {dimensions = array<i32: 1>} : vector<256x4096xi32>
    %iota3A_9 = tpu.iota {dimensions = array<i32: 0>} : vector<256x4096xi32>
    %mul3A_10 = arith.constant 256 : i32
    %mul3A_11 = arith.muli %arg0, %mul3A_10 : i32
    %add3A = vector.broadcast %mul3A_11 : i32 to vector<256x4096xi32>
    %add3A_12 = arith.addi %iota3A_9, %add3A : vector<256x4096xi32>
    %eq3A_13 = arith.cmpi eq, %iota3A, %add3A_12 : vector<256x4096xi32>
    %convert_element_type3A_14 = arith.extf %get3A_4 : vector<256x128xbf16> to vector<256x128xf32>
    %mul3A_15 = arith.mulf %convert_element_type3A_14, %convert_element_type3A_14 : vector<256x128xf32>
    %reduce_sum3A = arith.constant dense<0.000000e+00> : vector<256xf32>
    %reduce_sum3A_16 = vector.multi_reduction <add>, %mul3A_15, %reduce_sum3A [1] : vector<256x128xf32> to vector<256xf32>
    %broadcast_in_dim3A = vector.shape_cast %reduce_sum3A_16 : vector<256xf32> to vector<256x1xf32>
    %jit3A = arith.constant 0xFF800000 : f32
    %broadcast_in_dim3A_17 = vector.broadcast %jit3A : f32 to vector<256x4096xf32>
    %select_n3A = arith.select %eq3A_13, %broadcast_in_dim3A_17, %dot_general3A_8 : vector<256x4096xi1>, vector<256x4096xf32>
    %reduce_max3A = arith.constant dense<0xFF800000> : vector<256xf32>
    %reduce_max3A_18 = vector.multi_reduction <maximumf>, %select_n3A, %reduce_max3A [1] : vector<256x4096xf32> to vector<256xf32>
    %broadcast_in_dim3A_19 = vector.shape_cast %reduce_max3A_18 : vector<256xf32> to vector<256x1xf32>
    %argmax3A = tpu.reduce_index %select_n3A {axis = 1 : i32, kind = #tpu.reduction_kind<arg_max>} : vector<256x4096xf32> -> vector<256xi32>
    %broadcast_in_dim3A_20 = vector.shape_cast %argmax3A : vector<256xi32> to vector<256x1xi32>
    %eq3A_21 = vector.broadcast %broadcast_in_dim3A_20 : vector<256x1xi32> to vector<256x4096xi32>
    %eq3A_22 = arith.cmpi eq, %iota3A, %eq3A_21 : vector<256x4096xi32>
    %jit3A_23 = arith.constant 0xFF800000 : f32
    %broadcast_in_dim3A_24 = vector.broadcast %jit3A_23 : f32 to vector<256x4096xf32>
    %select_n3A_25 = arith.select %eq3A_22, %broadcast_in_dim3A_24, %select_n3A : vector<256x4096xi1>, vector<256x4096xf32>
    %reduce_max3A_26 = arith.constant dense<0xFF800000> : vector<256xf32>
    %reduce_max3A_27 = vector.multi_reduction <maximumf>, %select_n3A_25, %reduce_max3A_26 [1] : vector<256x4096xf32> to vector<256xf32>
    %broadcast_in_dim3A_28 = vector.shape_cast %reduce_max3A_27 : vector<256xf32> to vector<256x1xf32>
    %argmax3A_29 = tpu.reduce_index %select_n3A_25 {axis = 1 : i32, kind = #tpu.reduction_kind<arg_max>} : vector<256x4096xf32> -> vector<256xi32>
    %broadcast_in_dim3A_30 = vector.shape_cast %argmax3A_29 : vector<256xi32> to vector<256x1xi32>
    %sub3A = arith.subf %broadcast_in_dim3A_19, %broadcast_in_dim3A : vector<256x1xf32>
    %exp3A = math.exp %sub3A : vector<256x1xf32>
    %sub3A_31 = arith.subf %broadcast_in_dim3A_28, %broadcast_in_dim3A : vector<256x1xf32>
    %exp3A_32 = math.exp %sub3A_31 : vector<256x1xf32>
    %add3A_33 = arith.constant 1.000000e+00 : f32
    %add3A_34 = vector.broadcast %add3A_33 : f32 to vector<256x1xf32>
    %add3A_35 = arith.addf %add3A_34, %exp3A : vector<256x1xf32>
    %add3A_36 = arith.addf %add3A_35, %exp3A_32 : vector<256x1xf32>
    %div3A = arith.constant 1.000000e+00 : f32
    %div3A_37 = vector.broadcast %div3A : f32 to vector<256x1xf32>
    %div3A_38 = arith.divf %div3A_37, %add3A_36 : vector<256x1xf32>
    %swap3A = arith.constant 0 : index
    %swap3A_39 = arith.constant 0 : index
    %swap3A_40 = vector.load %arg2[%swap3A, %swap3A_39] : memref<256x1xi32, #tpu.memory_space<vmem>>, vector<256x1xi32>
    tpu.vector_store %arg2[%swap3A, %swap3A_39], %broadcast_in_dim3A_20 {strides = array<i32>} : memref<256x1xi32, #tpu.memory_space<vmem>>, vector<256x1xi32>,
    %swap3A_41 = arith.constant 0 : index
    %swap3A_42 = arith.constant 0 : index
    %swap3A_43 = vector.load %arg3[%swap3A_41, %swap3A_42] : memref<256x1xi32, #tpu.memory_space<vmem>>, vector<256x1xi32>
    tpu.vector_store %arg3[%swap3A_41, %swap3A_42], %broadcast_in_dim3A_30 {strides = array<i32>} : memref<256x1xi32, #tpu.memory_space<vmem>>, vector<256x1xi32>,
    %swap3A_44 = arith.constant 0 : index
    %swap3A_45 = arith.constant 0 : index
    %swap3A_46 = vector.load %arg4[%swap3A_44, %swap3A_45] : memref<256x1xf32, #tpu.memory_space<vmem>>, vector<256x1xf32>
    tpu.vector_store %arg4[%swap3A_44, %swap3A_45], %div3A_38 {strides = array<i32>} : memref<256x1xf32, #tpu.memory_space<vmem>>, vector<256x1xf32>,
    %mul3A_47 = arith.mulf %exp3A, %div3A_38 : vector<256x1xf32>
    %swap3A_48 = arith.constant 0 : index
    %swap3A_49 = arith.constant 0 : index
    %swap3A_50 = vector.load %arg5[%swap3A_48, %swap3A_49] : memref<256x1xf32, #tpu.memory_space<vmem>>, vector<256x1xf32>
    tpu.vector_store %arg5[%swap3A_48, %swap3A_49], %mul3A_47 {strides = array<i32>} : memref<256x1xf32, #tpu.memory_space<vmem>>, vector<256x1xf32>,
    %mul3A_51 = arith.mulf %exp3A_32, %div3A_38 : vector<256x1xf32>
    %swap3A_52 = arith.constant 0 : index
    %swap3A_53 = arith.constant 0 : index
    %swap3A_54 = vector.load %arg6[%swap3A_52, %swap3A_53] : memref<256x1xf32, #tpu.memory_space<vmem>>, vector<256x1xf32>
    tpu.vector_store %arg6[%swap3A_52, %swap3A_53], %mul3A_51 {strides = array<i32>} : memref<256x1xf32, #tpu.memory_space<vmem>>, vector<256x1xf32>,
    return
  }
  func.func @transform_0(%arg0: i32) -> (i32, i32) {
    %c0_i32 = arith.constant 0 : i32
    %c0_i32_0 = arith.constant 0 : i32
    %c0_i32_1 = arith.constant 0 : i32
    return %c0_i32, %c0_i32_0 : i32, i32
  }
  func.func @transform_1(%arg0: i32) -> (i32, i32) {
    %c0_i32 = arith.constant 0 : i32
    %c0_i32_0 = arith.constant 0 : i32
    return %arg0, %c0_i32 : i32, i32
  }
  func.func @transform_2(%arg0: i32) -> (i32, i32) {
    %c0_i32 = arith.constant 0 : i32
    %c0_i32_0 = arith.constant 0 : i32
    return %arg0, %c0_i32 : i32, i32
  }
  func.func @transform_3(%arg0: i32) -> (i32, i32) {
    %c0_i32 = arith.constant 0 : i32
    %c0_i32_0 = arith.constant 0 : i32
    return %arg0, %c0_i32 : i32, i32
  }
  func.func @transform_4(%arg0: i32) -> (i32, i32) {
    %c0_i32 = arith.constant 0 : i32
    %c0_i32_0 = arith.constant 0 : i32
    return %arg0, %c0_i32 : i32, i32
  }
  func.func @transform_5(%arg0: i32) -> (i32, i32) {
    %c0_i32 = arith.constant 0 : i32
    %c0_i32_0 = arith.constant 0 : i32
    return %arg0, %c0_i32 : i32, i32
  }
}

</mosaic_0001>

<sc_bundles>
// kernel: kernel.4.cloned.1.call-start
scs
__scs_entry_jumppad:
0x0: {  	(pc) =	sbr.rel $0x88, $3  }
0x1: {  	(tag) =	ssettag $0x0;
	lr =	simm.s32 $0x1  }
0x2: {  	[smem:$0x3FA0] =	sst lr;
	_ =	strace $0xD0000000  }
0x3: {  	_ = 	snop  }
0x4: {  	_ = 	snop  }
0x5: {  	_ = 	snop  }
0x6: {  	_ = 	snop  }
0x7: {  	_ = 	snop  }
__scs_overlays_trampoline_lowered:
0x8: {  	[smem:$0x3FAF] =	sst s0  }
0x9: {  	[smem:$0x3FB0] =	sst s1  }
0xa: {  	[smem:$0x3FB1] =	sst s2  }
0xb: {  	[smem:$0x3FB2] =	sst s3  }
0xc: {  	[smem:$0x3FB3] =	sst s4  }
0xd: {  	[smem:$0x3FB4] =	sst s5  }
0xe: {  	[smem:$0x3FB5] =	sst s6  }
0xf: {  	[smem:$0x3FB6] =	sst s7  }
0x10: {  	[smem:$0x3FB7] =	sst s8  }
0x11: {  	[smem:$0x3FB8] =	sst s9;
	s0 =	simm.s32 @!p0 $0x0  }
0x12: {  	s1 =	sld [smem:$0x3F9E];
	s0 =	simm.s32 @p0 $0x1  }
0x13: {  	[smem:$0x3FB9] =	sst s0;
	s0 =	simm.s32 @!p1 $0x0  }
0x14: {  	s2 =	sld [smem:$0x3F9D];
	s0 =	simm.s32 @p1 $0x1  }
0x15: {  	[smem:$0x3FBA] =	sst s0;
	s0 =	simm.s32 @!p2 $0x0  }
0x16: {  	s3 =	sld [smem:$0x3FDB];
	s0 =	simm.s32 @p2 $0x1  }
0x17: {  	s4 =	simm.s32 $0x1BF5;
	[smem:$0x3FBC] =	sst s0  }
0x18: {  	s0 =	sld [smem:$0x3F9F];
	_ =	swait.ge [sflag:s4], $0x0  }
0x19: {  	s7 =	sld [smem:$0x3FA0]  }
0x1a: {  	s8 =	sadd.s32 $0xFFFFE003, lr  }
0x1b: {  	s9 =	sadd.s32 $0xFFFFFEF7, lr;
	s5 =	simm.s32 $0xFFFFFFFF;
	p2 =	slt.u32 s8, $0xFFFFF086  }
0x1c: {  	p1 =	slt.u32 s9, $0xF7A;
	s5 =	simm.s32 @!p2 $0x0  }
0x1d: {  	s5 =	simm.s32 @p1 $0x1;
	p0 =	seq.s32 s7, s2  }
0x1e: {  	s7 =	smul.u32 @!p0 $0xF7A, s2;
	p2 =	seq.s32 @!p0 s5, $0x0  }
0x1f: {  	s9 =	smul.u32 $0xF7A, s1;
	s8 =	simm.s32 @!p0 $0x1BF5;
	p2 =	por !p2, p0  }
0x20: {  	[sflag:s8] =	ssyncset.s32 @!p0 $0xFFFFF086;
	s6 =	sadd.s32 @!p0 s3, s7;
	s7 =	simm.s32 @!p0 $0x108  }
0x21: {  	s3 =	sadd.s32 s3, s9;
	s6 =	sadd.s32 @!p0 $0x88, s6;
	s7 =	simm.s32 @p2 $0x1082  }
0x22: {  	[simem:s7], [sflag:s8] =	dma.local @!p0 [hbm:s6], $0xF7A  }
0x23: {  	s9 =	sor.u32 $0xD0000000, s2;
	s6 =	simm.s32 $0x108;
	_ =	swait.ge @!p0 [sflag:s8], $0x0  }
0x24: {  	s3 =	sadd.s32 $0x88, s3;
	s6 =	simm.s32 @!p1 $0x1082;
	[sflag:s4] =	ssyncset.s32 $0xFFFFF086  }
0x25: {  	[simem:s6], [sflag:s4] =	dma.local [hbm:s3], $0xF7A  }
0x26: {  	[smem:$0x3FA0] =	sst s1;
	(tag) =	ssettag s2;
	_ =	strace s9  }
0x27: {  	s1 =	sld [smem:$0x3FB0]  }
0x28: {  	s2 =	sld [smem:$0x3FB1]  }
0x29: {  	s4 =	sld [smem:$0x3FB3]  }
0x2a: {  	p0 =	seq.s32 s5, $0x0;
	s5 =	sld [smem:$0x3FB4]  }
0x2b: {  	s6 =	sld [smem:$0x3FB5]  }
0x2c: {  	s7 =	sld [smem:$0x3FB6]  }
0x2d: {  	s3 =	simm.s32 $0x108;
	s8 =	sld [smem:$0x3FB7]  }
0x2e: {  	s3 =	simm.s32 @!p0 $0x1082;
	s9 =	sld [smem:$0x3FB8]  }
0x2f: {  	lr =	sadd.s32 s0, s3;
	s0 =	sld [smem:$0x3FAF]  }
0x30: {  	s3 =	sld [smem:$0x3FB2]  }
0x31: {  	[smem:$0x3FBB] =	sst s10  }
0x32: {  	s10 =	sld [smem:$0x3FB9];
	_ =	sdelay $0x3  }
0x33: {  	p0 =	seq.s32 s10, $0x1;
	s10 =	sld [smem:$0x3FBB];
	_ =	sdelay $0x3  }
0x34: {  	[smem:$0x3FBB] =	sst s10  }
0x35: {  	s10 =	sld [smem:$0x3FBA];
	_ =	sdelay $0x3  }
0x36: {  	p1 =	seq.s32 s10, $0x1;
	s10 =	sld [smem:$0x3FBB];
	_ =	sdelay $0x3  }
0x37: {  	[smem:$0x3FBB] =	sst s10  }
0x38: {  	s10 =	sld [smem:$0x3FBC]  }
0x39: {  	_ = 	snop;
	(pc) =	sbr.ind lr, $3  }
0x3a: {  	_ = 	snop  }
0x3b: {  	_ = 	snop  }
0x3c: {  	p2 =	seq.s32 s10, $0x1;
	s10 =	sld [smem:$0x3FBB]  }
0x3d: {  	_ =	shalt  }
0x3e: {  	_ =	shalt  }
0x3f: {  	_ =	shalt  }
0x40: {  	_ =	shalt  }
0x41: {  	_ =	shalt  }
0x42: {  	_ =	shalt  }
0x43: {  	_ =	shalt  }
0x44: {  	_ =	shalt  }
0x45: {  	_ =	shalt  }
0x46: {  	_ =	shalt  }
0x47: {  	_ =	shalt  }
0x48: {  	_ =	shalt  }
0x49: {  	_ =	shalt  }
0x4a: {  	_ =	shalt  }
0x4b: {  	_ =	shalt  }
0x4c: {  	_ =	shalt  }
0x4d: {  	_ =	shalt  }
0x4e: {  	_ =	shalt  }
0x4f: {  	_ =	shalt  }
0x50: {  	_ =	shalt  }
0x51: {  	_ =	shalt  }
0x52: {  	_ =	shalt  }
0x53: {  	_ =	shalt  }
0x54: {  	_ =	shalt  }
0x55: {  	_ =	shalt  }
0x56: {  	_ =	shalt  }
0x57: {  	_ =	shalt  }
0x58: {  	_ =	shalt  }
0x59: {  	_ =	shalt  }
0x5a: {  	_ =	shalt  }
0x5b: {  	_ =	shalt  }
0x5c: {  	_ =	shalt  }
0x5d: {  	_ =	shalt  }
0x5e: {  	_ =	shalt  }
0x5f: {  	_ =	shalt  }
0x60: {  	_ =	shalt  }
0x61: {  	_ =	shalt  }
0x62: {  	_ =	shalt  }
0x63: {  	_ =	shalt  }
0x64: {  	_ =	shalt  }
0x65: {  	_ =	shalt  }
0x66: {  	_ =	shalt  }
0x67: {  	_ =	shalt  }
0x68: {  	_ =	shalt  }
0x69: {  	_ =	shalt  }
0x6a: {  	_ =	shalt  }
0x6b: {  	_ =	shalt  }
0x6c: {  	_ =	shalt  }
0x6d: {  	_ =	shalt  }
0x6e: {  	_ =	shalt  }
0x6f: {  	_ =	shalt  }
0x70: {  	_ =	shalt  }
0x71: {  	_ =	shalt  }
0x72: {  	_ =	shalt  }
0x73: {  	_ =	shalt  }
0x74: {  	_ =	shalt  }
0x75: {  	_ =	shalt  }
0x76: {  	_ =	shalt  }
0x77: {  	_ =	shalt  }
0x78: {  	_ =	shalt  }
0x79: {  	_ =	shalt  }
0x7a: {  	_ =	shalt  }
0x7b: {  	_ =	shalt  }
0x7c: {  	_ =	shalt  }
0x7d: {  	_ =	shalt  }
0x7e: {  	_ =	shalt  }
0x7f: {  	_ =	shalt  }
0x80: {  	_ =	shalt  }
0x81: {  	_ =	shalt  }
0x82: {  	_ =	shalt  }
0x83: {  	_ =	shalt  }
0x84: {  	_ =	shalt  }
0x85: {  	_ =	shalt  }
0x86: {  	_ =	shalt  }
0x87: {  	_ =	shalt  }
.Lfunc_end0:
.L_simem_size_0:
called_computation_lowered:
.L_overlay_start_0:
0x88: {  	s2 =	sld [smem:$0x3FD9]  }
0x89: {  	s3 =	sld [smem:$0x3FFE];
	_ =	sdelay $0x1  }
0x8a: {  	s1 =	srdreg.scid  }
0x8b: {  	s0 =	sand.u32 $0x1, s1  }
0x8c: {  	s17 =	sshll.u32 s0, $0xA;
	s2 =	sadd.s32 s3, s2  }
0x8d: {  	s2 =	sadd.s32 s2, s17  }
0x8e: {  	[smem:$0x3FC7] =	sst s2  }
0x8f: {  	_ = 	snop  }
0x90: {  	s2 =	sld [smem:$0x3FC9]  }
0x91: {  	s18 =	sld [smem:$0x3FD0];
	(tm) =	ssettm $0x1  }
0x92: {  	s4 =	sld [smem:$0x3FFB];
	_ =	sdelay $0x3  }
0x93: {  	_ =	strace s4  }
0x94: {  	s4 =	sld [smem:$0x3FFC];
	_ =	sdelay $0x3  }
0x95: {  	_ =	strace s4  }
0x96: {  	s4 =	sld [smem:$0x3FFD];
	_ =	sdelay $0x3  }
0x97: {  	_ =	strace s4  }
0x98: {  	_ =	strace $0x8FFFFFFF  }
0x99: {  	s19 =	sld [smem:$0x3FDB];
	_ =	sdelay $0x1  }
0x9a: {  	s5 =	simm.s32 $_scs_section_size  }
0x9b: {  	s6 =	simm.s32 $_size__tile_overlayer_lowered;
	s7 =	simm.s32 $_tile_overlayer_lowered  }
0x9c: {  	s22 =	simm.s32 $0x1BFF;
	s21 =	sshll.u32 s7, $0x1;
	s4 =	sadd.s32 s5, s19  }
0x9d: {  	s8 =	simm.s32 $0x0;
	s20 =	sshll.u32 s6, $0x1;
	s6 =	sadd.s32 s21, s4  }
0x9e: {  	[timem:s8], [sflag:s22] =	dma.local [hbm:s6], s20  }
0x9f: {  	_ =	swait.ge [sflag:s22], s20  }
0xa0: {  	s5 =	ssub.s32 $0x0, s20;
	[sflag:s22] =	ssyncset.done $0x0  }
0xa1: {  	[sflag:s22] =	ssyncadd.s32 s5;
	_ =	sdelay $0x1  }
0xa2: {  	s23 =	simm.s32 $0x1B8B  }
0xa3: {  	_ =	swait.ge [sflag:s23], $0x1  }
0xa4: {  	[sflag:s23] =	ssyncset.done $0x0  }
0xa5: {  	s25 =	simm.s32 $0x1B8E;
	s24 =	sld [smem:$0x3FFE];
	[sflag:s23] =	ssyncadd.s32 $0xFFFFFFFF  }
0xa6: {  	s26 =	simm.s32 $execute0_lowered;
	[smem:$0x3FD2] =	sst s25  }
0xa7: {  	s6 =	sshll.u32 s26, $0x1;
	_ =	strace $0x80000046;
	[dreg:$0x1] =	wrdreg $0xFFFFFFFF  }
0xa8: {  	s28 =	simm.s32 $_size_execute0_lowered;
	s4 =	sadd.s32 s4, s6;
	[dreg:$0x0] =	wrdreg $0x0  }
0xa9: {  	s6 =	sshll.u32 s28, $0x1;
	[dreg:$0x2] =	wrdreg s4  }
0xaa: {  	[dreg:$0x3] =	wrdreg s6  }
0xab: {  	[dreg:$0x4] =	wrdreg $0xC0  }
0xac: {  	_ =	task [dreg:s8], $0x5FFFF  }
0xad: {  	[dreg:$0x1] =	wrdreg $0xFFFFFFFF  }
0xae: {  	[dreg:$0x0] =	wrdreg $0x60  }
0xaf: {  	[dreg:$0x2] =	wrdreg s2  }
0xb0: {  	[dreg:$0x3] =	wrdreg s24  }
0xb1: {  	[dreg:$0x4] =	wrdreg s18  }
0xb2: {  	[dreg:$0x5] =	wrdreg $0x9  }
0xb3: {  	_ =	task.clear_ibuf [dreg:s8], $0x6FFFF;
	_ =	strace $0x90000046  }
0xb4: {  	s29 =	simm.s32 $0x9;
	_ =	strace $0x80000048  }
0xb5: {  	_ =	swait.ge [sflag:s29], $0x1  }
0xb6: {  	[sflag:s29] =	ssyncadd.s32 $0xFFFFFFFF  }
0xb7: {  	_ =	strace $0x90000048  }
0xb8: {  	_ =	sfence  }
0xb9: {  	s30 =	sld [smem:$0x0];
	_ =	sdelay $0x2  }
0xba: {  	s31 =	sshll.u32 s1, $0xD;
	s1 =	sshrl.u32 s1, $0x2  }
0xbb: {  	s3 =	sand.u32 $0x4000, s31;
	s1 =	sadd.s32 s1, s30  }
0xbc: {  	s0 =	sor.u32 s3, s0;
	s1 =	sshll.u32 s1, $0x11  }
0xbd: {  	s0 =	sor.u32 s1, s0  }
0xbe: {  	s0 =	sadd.s32 $0x8F2B, s0  }
0xbf: {  	[sflag:s0] =	ssyncadd.remote.s32 $0x1  }
0xc0: {  	_ =	sfence.sel $0xFFFF  }
0xc1: {  	[dreg:$0x0] =	wrdreg $0xFFFFFFFF;
	(pc) =	sbr.abs _section_cstart, $3  }
0xc2: {  	[dreg:$0x1] =	wrdreg $0xFFFFFFFF  }
0xc3: {  	_ =	task.clear_ibuf [dreg:s8], $0x2FFFF;
	_ =	strace $0x9FFFFFFF  }
0xc4: {  	(tm) =	ssettm $0x7FFFFFFF  }
0xc5: {  	_ =	shalt  }
tec
execute0_lowered:
.L_overlay_start_1:
0x0: {  	(tag) =	ssettag $0x1  }
0x1: {  	s2 =	rddreg [dreg:$0x0]  }
0x2: {  	s0 =	rddreg [dreg:$0x1]  }
0x3: {  	s1 =	srdreg.scid;
	s10 =	rddreg [dreg:$0x2]  }
0x4: {  	s3 =	stileid.u32;
	s12 =	simm.s32 $0x4;
	s13 =	simm.s32 $0x80  }
0x5: {  	s14 =	simm.s32 $0x100;
	s15 =	simm.s32 $0x180;
	s16 =	simm.s32 $0x200  }
0x6: {  	s18 =	simm.s32 $0x4280;
	s19 =	simm.s32 $0x8280;
	s20 =	simm.s32 $0x1  }
0x7: {  	s21 =	simm.s32 $0x2;
	s22 =	simm.s32 $0x3;
	s23 =	simm.s32 $0xC280  }
0x8: {  	s24 =	simm.s32 $0x0;
	s1 =	sand.u32 $0x1, s1;
	s4 =	sshll.u32 s3, $0x8  }
0x9: {  	s3 =	simm.s32 $0x0;
	s5 =	sshll.u32 s1, $0x7;
	s1 =	ssub.s32 $0x2, s1  }
0xa: {  	[smem:$0x7FF] =	sst s3;
	s7 =	sor.u32 s5, s4;
	s30 =	sshrl.u32 s1, $0x1  }
0xb: {  	_ =	strace $0x80000047;
	s5 =	sshrl.u32 s7, $0x3;
	s31 =	sshll.u32 s7, $0x4  }
0xc: {  	s1 =	ssub.s32 s1, s30;
	s4 =	sadd.s32 s0, s5;
	s9 =	sadd.s32 s2, s31  }
0xd: {  	s10 =	sadd.s32 s10, s31;
	s11 =	smax.u32 s1, $0x1;
	s5 =	sadd.s32 $0x200, s4  }
0xe: {  	s6 =	sadd.s32 $0x400, s4;
	s7 =	sadd.s32 $0x600, s4;
	s8 =	sadd.s32 $0x800, s4  }
.LBB2_1:
0xf: {  	[tilespmem:s3], [sflag:$0x4] =	stream.linear.gather [hbm4b:s4+s3], $0x80, $0x38;
	[tilespmem:$0x10280] =	vst v63  }
0x10: {  	_ =	swait.ge [sflag:s12], $0x80  }
0x11: {  	[sflag:s12] =	ssyncset.done $0x0  }
0x12: {  	[sflag:s12] =	ssyncadd.s32 $0xFFFFFF80  }
0x13: {  	[tilespmem:s13], [sflag:$0x4] =	stream.linear.gather [hbm4b:s5+s3], $0x80, $0x38;
	[tilespmem:$0x10280] =	vst v63  }
0x14: {  	_ =	swait.ge [sflag:s12], $0x80  }
0x15: {  	[sflag:s12] =	ssyncset.done $0x0  }
0x16: {  	[sflag:s12] =	ssyncadd.s32 $0xFFFFFF80  }
0x17: {  	[tilespmem:s14], [sflag:$0x4] =	stream.linear.gather [hbm4b:s6+s3], $0x80, $0x38;
	[tilespmem:$0x10280] =	vst v63  }
0x18: {  	_ =	swait.ge [sflag:s12], $0x80  }
0x19: {  	[sflag:s12] =	ssyncset.done $0x0  }
0x1a: {  	[sflag:s12] =	ssyncadd.s32 $0xFFFFFF80  }
0x1b: {  	[tilespmem:s15], [sflag:$0x4] =	stream.linear.gather [hbm4b:s7+s3], $0x80, $0x38;
	[tilespmem:$0x10280] =	vst v63  }
0x1c: {  	_ =	swait.ge [sflag:s12], $0x80  }
0x1d: {  	[sflag:s12] =	ssyncset.done $0x0  }
0x1e: {  	[sflag:s12] =	ssyncadd.s32 $0xFFFFFF80  }
0x1f: {  	[tilespmem:s16], [sflag:$0x4] =	stream.linear.gather [hbm4b:s8+s3], $0x80, $0x38;
	[tilespmem:$0x10280] =	vst v63  }
0x20: {  	_ =	swait.ge [sflag:s12], $0x80  }
0x21: {  	[sflag:s12] =	ssyncset.done $0x0  }
0x22: {  	s0 =	simm.s32 $0x280;
	[sflag:s12] =	ssyncadd.s32 $0xFFFFFF80  }
0x23: {  	[tilespmem:s0], [sflag:$0x1] =	stream.linear.gather [hbm4b:s9+s3], $0x4000, $0x38;
	[tilespmem:$0x10280] =	vst v63  }
0x24: {  	_ = 	snop  }
0x25: {  	[tilespmem:s18], [sflag:$0x2] =	stream.indirect.gather [hbm4b:s2+s13], $0x80, s3, s13, $0xb8;
	[tilespmem:$0x10280] =	vst v63  }
0x26: {  	_ = 	snop  }
0x27: {  	[tilespmem:s19], [sflag:$0x3] =	stream.indirect.gather [hbm4b:s2+s13], $0x80, s13, s13, $0xb8;
	[tilespmem:$0x10280] =	vst v63  }
0x28: {  	_ =	swait.ge [sflag:s20], $0x4000  }
0x29: {  	[sflag:s20] =	ssyncset.done $0x0  }
0x2a: {  	[sflag:s20] =	ssyncadd.s32 $0xFFFFC000  }
0x2b: {  	_ =	swait.ge [sflag:s21], $0x4000  }
0x2c: {  	v2 =	vmov s3;
	[sflag:s21] =	ssyncset.done $0x0  }
0x2d: {  	[sflag:s21] =	ssyncadd.s32 $0xFFFFC000  }
0x2e: {  	_ =	swait.ge [sflag:s22], $0x4000  }
0x2f: {  	[sflag:s22] =	ssyncset.done $0x0  }
0x30: {  	[sflag:s22] =	ssyncadd.s32 $0xFFFFC000  }
0x31: {  	s26 =	simm.s32 $0x2C0;
	v0 =	vld.idx.msk [tilespmem:v2+s15+$0x0], $0xffff  }
0x32: {  	v3 =	vld [tilespmem:s26+$0xFFFFFFC0]  }
0x33: {  	s25 =	simm.s32 $0x42C0;
	v1 =	vld.idx.msk [tilespmem:v2+s14+$0x0], $0xffff  }
0x34: {  	v4 =	vld [tilespmem:s25+$0xFFFFFFC0]  }
0x35: {  	s28 =	simm.s32 $0x82C0;
	v2 =	vld.idx.msk [tilespmem:v2+s16+$0x0], $0xffff  }
0x36: {  	v5 =	vld [tilespmem:s28+$0xFFFFFFC0];
	_ =	sdelay $0x2  }
0x37: {  	v3 =	vmul.f32 v3, v1;
	v4 =	vmul.f32 v4, v0;
	_ =	sdelay $0x1  }
0x38: {  	v3 =	vadd.f32 v4, v3;
	v4 =	vmul.f32 v5, v2;
	_ =	sdelay $0x1  }
0x39: {  	v3 =	vadd.f32 v4, v3  }
0x3a: {  	s29 =	simm.s32 $0xC2C0  }
0x3b: {  	[tilespmem:s29+$0xFFFFFFC0] =	vst v3  }
0x3c: {  	v3 =	vld [tilespmem:s26+$0xFFFFFFD0]  }
0x3d: {  	v4 =	vld [tilespmem:s25+$0xFFFFFFD0];
	_ =	sdelay $0x1  }
0x3e: {  	v5 =	vld [tilespmem:s28+$0xFFFFFFD0];
	_ =	sdelay $0x2  }
0x3f: {  	v3 =	vmul.f32 v3, v1;
	v4 =	vmul.f32 v4, v0;
	_ =	sdelay $0x1  }
0x40: {  	v3 =	vadd.f32 v4, v3;
	v4 =	vmul.f32 v5, v2;
	_ =	sdelay $0x1  }
0x41: {  	v3 =	vadd.f32 v4, v3;
	_ =	sdelay $0x1  }
0x42: {  	[tilespmem:s29+$0xFFFFFFD0] =	vst v3  }
0x43: {  	v3 =	vld [tilespmem:s26+$0xFFFFFFE0]  }
0x44: {  	v4 =	vld [tilespmem:s25+$0xFFFFFFE0];
	_ =	sdelay $0x1  }
0x45: {  	v5 =	vld [tilespmem:s28+$0xFFFFFFE0];
	_ =	sdelay $0x2  }
0x46: {  	v3 =	vmul.f32 v3, v1;
	v4 =	vmul.f32 v4, v0;
	_ =	sdelay $0x1  }
0x47: {  	v3 =	vadd.f32 v4, v3;
	v4 =	vmul.f32 v5, v2;
	_ =	sdelay $0x1  }
0x48: {  	v3 =	vadd.f32 v4, v3;
	_ =	sdelay $0x1  }
0x49: {  	[tilespmem:s29+$0xFFFFFFE0] =	vst v3  }
0x4a: {  	v3 =	vld [tilespmem:s26+$0xFFFFFFF0]  }
0x4b: {  	v4 =	vld [tilespmem:s25+$0xFFFFFFF0];
	_ =	sdelay $0x1  }
0x4c: {  	v5 =	vld [tilespmem:s28+$0xFFFFFFF0];
	_ =	sdelay $0x2  }
0x4d: {  	v3 =	vmul.f32 v3, v1;
	v4 =	vmul.f32 v4, v0;
	_ =	sdelay $0x1  }
0x4e: {  	v5 =	vmul.f32 v5, v2;
	v3 =	vadd.f32 v4, v3;
	_ =	sdelay $0x1  }
0x4f: {  	v3 =	vadd.f32 v5, v3;
	_ =	sdelay $0x1  }
0x50: {  	[tilespmem:s29+$0xFFFFFFF0] =	vst v3  }
0x51: {  	v3 =	vld [tilespmem:s26+$0x0]  }
0x52: {  	v4 =	vld [tilespmem:s25+$0x0];
	_ =	sdelay $0x1  }
0x53: {  	v5 =	vld [tilespmem:s28+$0x0];
	_ =	sdelay $0x2  }
0x54: {  	v3 =	vmul.f32 v3, v1;
	v4 =	vmul.f32 v4, v0;
	_ =	sdelay $0x1  }
0x55: {  	v3 =	vadd.f32 v4, v3;
	v4 =	vmul.f32 v5, v2;
	_ =	sdelay $0x1  }
0x56: {  	v3 =	vadd.f32 v4, v3;
	_ =	sdelay $0x1  }
0x57: {  	[tilespmem:s29+$0x0] =	vst v3  }
0x58: {  	v3 =	vld [tilespmem:s26+$0x10]  }
0x59: {  	v4 =	vld [tilespmem:s25+$0x10];
	_ =	sdelay $0x1  }
0x5a: {  	v5 =	vld [tilespmem:s28+$0x10];
	_ =	sdelay $0x2  }
0x5b: {  	v3 =	vmul.f32 v3, v1;
	v4 =	vmul.f32 v4, v0;
	_ =	sdelay $0x1  }
0x5c: {  	v5 =	vmul.f32 v5, v2;
	v3 =	vadd.f32 v4, v3;
	_ =	sdelay $0x1  }
0x5d: {  	v3 =	vadd.f32 v5, v3;
	_ =	sdelay $0x1  }
0x5e: {  	[tilespmem:s29+$0x10] =	vst v3  }
0x5f: {  	v3 =	vld [tilespmem:s26+$0x20]  }
0x60: {  	v4 =	vld [tilespmem:s25+$0x20];
	_ =	sdelay $0x1  }
0x61: {  	v5 =	vld [tilespmem:s28+$0x20];
	_ =	sdelay $0x2  }
0x62: {  	v3 =	vmul.f32 v3, v1;
	v4 =	vmul.f32 v4, v0;
	_ =	sdelay $0x1  }
0x63: {  	v5 =	vmul.f32 v5, v2;
	v3 =	vadd.f32 v4, v3;
	_ =	sdelay $0x1  }
0x64: {  	v3 =	vadd.f32 v5, v3;
	_ =	sdelay $0x1  }
0x65: {  	s31 =	simm.s32 $0x1;
	[tilespmem:s29+$0x20] =	vst v3  }
0x66: {  	s1 =	simm.s32 $0x340;
	s30 =	simm.s32 $0xC2C0;
	s0 =	simm.s32 $0x82C0;
	v3 =	vld [tilespmem:s25+$0x30]  }
.LBB2_2:
0x67: {  	s25 =	sadd.s32 $0x80, s25;
	s28 =	sadd.s32 $0x80, s28  }
0x68: {  	v4 =	vld [tilespmem:s26+$0x30];
	s29 =	sadd.s32 $0x80, s29;
	s17 =	smov.u32 s31;
	s26 =	smov.u32 s1  }
0x69: {  	p0 =	sne.s32 s31, $0x7F;
	s31 =	sadd.s32 $0x1, s31;
	v5 =	vld [tilespmem:s0+$0x30];
	s0 =	smov.u32 s28  }
0x6a: {  	_ =	sdelay $0x1  }
0x6b: {  	v0 =	vmul.f32 v3, v0  }
0x6c: {  	v3 =	vmov s17;
	v1 =	vmul.f32 v4, v1  }
0x6d: {  	v2 =	vmul.f32 v5, v2  }
0x6e: {  	v0 =	vadd.f32 v0, v1;
	_ =	sdelay $0x1  }
0x6f: {  	v0 =	vadd.f32 v2, v0;
	_ =	sdelay $0x1  }
0x70: {  	[tilespmem:s30+$0x30] =	vst v0;
	s30 =	smov.u32 s29  }
0x71: {  	v0 =	vld.idx.msk [tilespmem:v3+s15+$0x0], $0xffff  }
0x72: {  	v4 =	vld [tilespmem:s1+$0xFFFFFFC0]  }
0x73: {  	v1 =	vld.idx.msk [tilespmem:v3+s14+$0x0], $0xffff  }
0x74: {  	v5 =	vld [tilespmem:s25+$0xFFFFFFC0]  }
0x75: {  	v2 =	vld.idx.msk [tilespmem:v3+s16+$0x0], $0xffff  }
0x76: {  	v3 =	vld [tilespmem:s28+$0xFFFFFFC0];
	_ =	sdelay $0x2  }
0x77: {  	v4 =	vmul.f32 v4, v1;
	v5 =	vmul.f32 v5, v0;
	_ =	sdelay $0x1  }
0x78: {  	v4 =	vadd.f32 v5, v4;
	v3 =	vmul.f32 v3, v2;
	_ =	sdelay $0x1  }
0x79: {  	v3 =	vadd.f32 v3, v4;
	_ =	sdelay $0x1  }
0x7a: {  	[tilespmem:s29+$0xFFFFFFC0] =	vst v3  }
0x7b: {  	v3 =	vld [tilespmem:s1+$0xFFFFFFD0]  }
0x7c: {  	v4 =	vld [tilespmem:s25+$0xFFFFFFD0];
	_ =	sdelay $0x1  }
0x7d: {  	v5 =	vld [tilespmem:s28+$0xFFFFFFD0];
	_ =	sdelay $0x1  }
0x7e: {  	v3 =	vmul.f32 v3, v1  }
0x7f: {  	v4 =	vmul.f32 v4, v0;
	_ =	sdelay $0x1  }
0x80: {  	v3 =	vadd.f32 v4, v3;
	v4 =	vmul.f32 v5, v2;
	_ =	sdelay $0x1  }
0x81: {  	v3 =	vadd.f32 v4, v3;
	_ =	sdelay $0x1  }
0x82: {  	[tilespmem:s29+$0xFFFFFFD0] =	vst v3  }
0x83: {  	v3 =	vld [tilespmem:s1+$0xFFFFFFE0]  }
0x84: {  	v4 =	vld [tilespmem:s25+$0xFFFFFFE0];
	_ =	sdelay $0x1  }
0x85: {  	v5 =	vld [tilespmem:s28+$0xFFFFFFE0];
	_ =	sdelay $0x1  }
0x86: {  	v3 =	vmul.f32 v3, v1  }
0x87: {  	v4 =	vmul.f32 v4, v0;
	_ =	sdelay $0x1  }
0x88: {  	v3 =	vadd.f32 v4, v3;
	v4 =	vmul.f32 v5, v2;
	_ =	sdelay $0x1  }
0x89: {  	v3 =	vadd.f32 v4, v3;
	_ =	sdelay $0x1  }
0x8a: {  	[tilespmem:s29+$0xFFFFFFE0] =	vst v3  }
0x8b: {  	v3 =	vld [tilespmem:s1+$0xFFFFFFF0]  }
0x8c: {  	v4 =	vld [tilespmem:s25+$0xFFFFFFF0]  }
0x8d: {  	v5 =	vld [tilespmem:s28+$0xFFFFFFF0];
	_ =	sdelay $0x2  }
0x8e: {  	v3 =	vmul.f32 v3, v1  }
0x8f: {  	v4 =	vmul.f32 v4, v0  }
0x90: {  	v5 =	vmul.f32 v5, v2  }
0x91: {  	v3 =	vadd.f32 v4, v3;
	_ =	sdelay $0x1  }
0x92: {  	v3 =	vadd.f32 v5, v3;
	_ =	sdelay $0x1  }
0x93: {  	[tilespmem:s29+$0xFFFFFFF0] =	vst v3  }
0x94: {  	v3 =	vld [tilespmem:s1+$0x0]  }
0x95: {  	v4 =	vld [tilespmem:s25+$0x0];
	_ =	sdelay $0x1  }
0x96: {  	v5 =	vld [tilespmem:s28+$0x0];
	_ =	sdelay $0x1  }
0x97: {  	v3 =	vmul.f32 v3, v1  }
0x98: {  	v4 =	vmul.f32 v4, v0;
	_ =	sdelay $0x1  }
0x99: {  	v3 =	vadd.f32 v4, v3;
	v4 =	vmul.f32 v5, v2;
	_ =	sdelay $0x1  }
0x9a: {  	v3 =	vadd.f32 v4, v3;
	_ =	sdelay $0x1  }
0x9b: {  	[tilespmem:s29+$0x0] =	vst v3  }
0x9c: {  	v3 =	vld [tilespmem:s1+$0x10]  }
0x9d: {  	v4 =	vld [tilespmem:s25+$0x10]  }
0x9e: {  	v5 =	vld [tilespmem:s28+$0x10];
	_ =	sdelay $0x2  }
0x9f: {  	v3 =	vmul.f32 v3, v1  }
0xa0: {  	v4 =	vmul.f32 v4, v0  }
0xa1: {  	v5 =	vmul.f32 v5, v2  }
0xa2: {  	v3 =	vadd.f32 v4, v3;
	_ =	sdelay $0x1  }
0xa3: {  	v3 =	vadd.f32 v5, v3;
	_ =	sdelay $0x1  }
0xa4: {  	[tilespmem:s29+$0x10] =	vst v3  }
0xa5: {  	v3 =	vld [tilespmem:s1+$0x20]  }
0xa6: {  	v4 =	vld [tilespmem:s25+$0x20]  }
0xa7: {  	v5 =	vld [tilespmem:s28+$0x20];
	_ =	sdelay $0x2  }
0xa8: {  	v3 =	vmul.f32 v3, v1  }
0xa9: {  	v4 =	vmul.f32 v4, v0  }
0xaa: {  	v5 =	vmul.f32 v5, v2  }
0xab: {  	v3 =	vadd.f32 v4, v3  }
.Ltmp0:
0xac: {  	(pc) =	sbr.rel @p0 .LBB2_2-.Ltmp0, $3  }
0xad: {  	v3 =	vadd.f32 v5, v3;
	_ =	sdelay $0x1  }
0xae: {  	[tilespmem:s29+$0x20] =	vst v3  }
0xaf: {  	s1 =	sadd.s32 $0x80, s1;
	v3 =	vld [tilespmem:s25+$0x30]  }
0xb0: {  	v4 =	vld [tilespmem:s26+$0x30];
	_ =	sdelay $0x1  }
0xb1: {  	v5 =	vld [tilespmem:s0+$0x30];
	_ =	sdelay $0x2  }
0xb2: {  	v0 =	vmul.f32 v3, v0;
	v1 =	vmul.f32 v4, v1;
	_ =	sdelay $0x1  }
0xb3: {  	v2 =	vmul.f32 v5, v2;
	v0 =	vadd.f32 v0, v1;
	_ =	sdelay $0x1  }
0xb4: {  	s24 =	sadd.s32 $0x1, s24;
	v0 =	vadd.f32 v2, v0  }
0xb5: {  	p0 =	sne.s32 s24, s11  }
.Ltmp1:
0xb6: {  	[tilespmem:s30+$0x30] =	vst v0;
	(pc) =	sbr.rel @p0 .LBB2_1-.Ltmp1, $4  }
0xb7: {  	[hbm4b:s10+s3] =	stream.linear.scatter [tilespmem:s23], [sflag:$0x4], $0x4000, $0x38;
	[tilespmem:$0x10280] =	vst v63  }
0xb8: {  	_ =	swait.ge [sflag:s12], $0x4000  }
0xb9: {  	[sflag:s12] =	ssyncset.done $0x0  }
0xba: {  	[sflag:s12] =	ssyncadd.s32 $0xFFFFC000  }
0xbb: {  	_ =	sfence.sel $0x180000  }
0xbc: {  	[bflag:$0x0] =	sbarrier.arrive $0xFFFF  }
0xbd: {  	_ =	strace $0x90000047  }
0xbe: {  	s0 =	stileid.u32;
	[bflag:$0x2] =	sbarrier.arrive $0xFFFF  }
0xbf: {  	p0 =	sne.s32 s0, $0x0;
	s0 =	rddreg [dreg:$0x3]  }
0xc0: {  	s0 =	sadd.s32 @!p0 $0x100000, s0  }
0xc1: {  	[sflag:s0] =	ssyncadd.tile.s32 @!p0 $0x1;
	_ =	shalt  }
.Lfunc_end2:
_tile_overlayer_lowered:
.L_overlay_start_2:
0xc2: {  	(tag) =	ssettag $0x2  }
0xc3: {  	s0 =	rddreg [dreg:$0x0];
	s2 =	stileid.u32  }
0xc4: {  	s1 =	rddreg [dreg:$0x1];
	p0 =	sne.s32 s2, $0x0  }
0xc5: {  	s3 =	rddreg [dreg:$0x2];
	[bflag:$0x3] =	sbarrier.arrive $0xFFFF;
	s2 =	simm.s32 @!p0 $0x1C04  }
0xc6: {  	[timem:s3], [sflag:s2] =	dma.local @!p0 [hbm:s0], s1  }
0xc7: {  	s0 =	simm.s32 @!p0 $0x4  }
0xc8: {  	_ =	swait.ge @!p0 [sflag:s0], s1  }
0xc9: {  	s1 =	ssub.s32 @!p0 $0x0, s1;
	[sflag:s0] =	ssyncset.done @!p0 $0x0  }
0xca: {  	[sflag:s0] =	ssyncadd.s32 @!p0 s1  }
0xcb: {  	[bflag:$0x3] =	sbarrier.arrive $0xFFFF  }
0xcc: {  	_ =	shalt  }

</sc_bundles>
